<compile_context>
chip_gen: v7x
topology: tpu7x:2x2x1
jax: 0.10.2.dev20260603
libtpu: 0.0.44.dev20260713+nightly
codegen_flags: <defaults>
</compile_context>

<pallas_src>
import functools

import jax
import jax.numpy as jnp
from jax import lax
from jax.experimental import pallas as pl
from jax.experimental.pallas import tpu as pltpu
from jax.experimental.pallas import tpu_sc as plsc

_K = 16
_SET = 1
_NW = 32


def _make_gather(N_IN, N_OUT, B, C):
    rows_w = N_OUT // _NW
    rem = N_OUT - rows_w * _NW
    n_full = rows_w // _K
    ctail = rows_w - n_full * _K
    slab = (rows_w + rem + 7) // 8 * 8
    n_groups = (n_full + _SET - 1) // _SET
    n_super = (n_groups + 3 + 1) // 2
    mesh = plsc.VectorSubcoreMesh(core_axis_name="c", subcore_axis_name="s")

    @functools.partial(
        pl.kernel,
        mesh=mesh,
        out_type=jax.ShapeDtypeStruct((N_OUT, B, C), jnp.float32),
        scratch_types=[
            pltpu.VMEM((slab,), jnp.int32),
            pltpu.VMEM((2 * _SET, _K, B, C), jnp.float32),
        ]
        + [pltpu.SemaphoreType.DMA] * (4 * _SET + 1),
    )
    def k(x_hbm, idx_hbm, out_hbm, idx_v, rows_v, *sems):
        gsem = sems[: 2 * _SET]
        ssem = sems[2 * _SET : 4 * _SET]
        xsem = sems[4 * _SET]
        wid = lax.axis_index("s") * 2 + lax.axis_index("c")
        row0 = wid * rows_w

        pltpu.sync_copy(idx_hbm.at[pl.ds(row0, slab)], idx_v)

        def run_group(g, sb):
            osb = _SET - sb
            for i in range(_SET):
                s = sb + i
                f = (g - 2) * _SET + i

                @pl.when(jnp.logical_and(f >= 0, f < n_full))
                def _():
                    pltpu.make_async_copy(
                        rows_v.at[s], out_hbm.at[pl.ds(0, _K)], ssem[s]
                    ).wait()

                l = g * _SET + i

                @pl.when(l < n_full)
                def _():
                    pltpu.async_copy(
                        x_hbm.at[idx_v.at[pl.ds(l * _K, _K)]],
                        rows_v.at[s],
                        gsem[s],
                    )

            for i in range(_SET):
                s = osb + i
                p = (g - 1) * _SET + i

                @pl.when(jnp.logical_and(p >= 0, p < n_full))
                def _():
                    pltpu.make_async_copy(
                        x_hbm.at[idx_v.at[pl.ds(0, _K)]],
                        rows_v.at[s],
                        gsem[s],
                    ).wait()
                    pltpu.async_copy(
                        rows_v.at[s],
                        out_hbm.at[pl.ds(row0 + p * _K, _K)],
                        ssem[s],
                    )

        def super_group(h, carry):
            run_group(2 * h, 0)
            run_group(2 * h + 1, _SET)
            return carry

        lax.fori_loop(0, n_super, super_group, 0)

        if ctail:

            def _():
                pltpu.async_copy(
                    x_hbm.at[idx_v.at[pl.ds(n_full * _K, ctail)]],
                    rows_v.at[0].at[pl.ds(0, ctail)],
                    xsem,
                ).wait()
                pltpu.async_copy(
                    rows_v.at[0].at[pl.ds(0, ctail)],
                    out_hbm.at[pl.ds(row0 + n_full * _K, ctail)],
                    xsem,
                ).wait()

            _()

        if rem:

            @pl.when(wid == _NW - 1)
            def _():
                pltpu.async_copy(
                    x_hbm.at[idx_v.at[pl.ds(rows_w, rem)]],
                    rows_v.at[0].at[pl.ds(0, rem)],
                    xsem,
                ).wait()
                pltpu.async_copy(
                    rows_v.at[0].at[pl.ds(0, rem)],
                    out_hbm.at[pl.ds(row0 + rows_w, rem)],
                    xsem,
                ).wait()

    return k


def kernel(x, center_idx):
    B, N_IN, C = x.shape
    N_OUT = center_idx.shape[0]
    rows_w = N_OUT // _NW
    rem = N_OUT - rows_w * _NW
    slab = (rows_w + rem + 7) // 8 * 8
    idx_len = (_NW - 1) * rows_w + slab

    idx = center_idx.astype(jnp.int32)
    if idx_len > N_OUT:
        idx = jnp.concatenate([idx, jnp.zeros((idx_len - N_OUT,), jnp.int32)])

    x_t = jnp.transpose(x, (1, 0, 2))
    out_t = _make_gather(N_IN, N_OUT, B, C)(x_t, idx)
    return jnp.transpose(out_t, (1, 0, 2))

# --- scband reference (transcript-rebuilt; emitter-appended) ---
"""Pipeline reference for scband-nearest-upsample-44272522887499 (READ-ONLY COPY).

The authoritative reference and input builder live on the scoring server;
editing this copy changes nothing except your own understanding.
"""

import jax, jax.numpy as jnp
import numpy as np


def setup_inputs(seed: int = 0) -> dict:
    key = jax.random.key(seed)
    k1, k2 = jax.random.split(key)
    B = 16
    N_IN = 10242   # icosphere rank 5: 10*4^5 + 2
    N_OUT = 40962  # icosphere rank 6: 10*4^6 + 2
    C = 128
    x = jax.random.normal(k1, (B, N_IN, C), dtype=jnp.float32)
    # In the original module, center_idx is computed in __init__ from icosphere
    # normals via argmax cosine similarity (a fixed buffer at forward time).
    # We materialize it here as a fixed index array with values in [0, N_IN).
    center_idx = jax.random.randint(k2, (N_OUT,), 0, N_IN, dtype=jnp.int32)
    return {"x": x, "center_idx": center_idx}


def reference(x, center_idx):
    # Faithful translation of: return x[:, self.center_idx]
    # -> gather along axis 1 (vertex dimension) with a precomputed index list.
    return jnp.take(x, center_idx, axis=1)

if __name__ == "__main__":
    import jax
    _d = setup_inputs()
    print(jax.jit(kernel)(*tuple(_d.values())))

</pallas_src>

<mosaic_0001>
#map = affine_map<(d0, d1) -> (0, 0, 0)>
#map1 = affine_map<(d0, d1) -> (0)>
module attributes {stable_mosaic.version = 14 : i64} {
  func.func @k(%arg0: i32, %arg1: i32, %arg2: memref<10242x16x128xf32, #tpu.memory_space<hbm>>, %arg3: memref<40968xi32, #tpu.memory_space<hbm>>, %arg4: memref<40962x16x128xf32, #tpu.memory_space<hbm>>, %arg5: memref<1288xi32, #tpu.memory_space<vmem>>, %arg6: memref<2x16x16x128xf32, #tpu.memory_space<vmem>>, %arg7: memref<!tpu.dma_semaphore, #tpu.memory_space<semaphore_mem>>, %arg8: memref<!tpu.dma_semaphore, #tpu.memory_space<semaphore_mem>>, %arg9: memref<!tpu.dma_semaphore, #tpu.memory_space<semaphore_mem>>, %arg10: memref<!tpu.dma_semaphore, #tpu.memory_space<semaphore_mem>>, %arg11: memref<!tpu.dma_semaphore, #tpu.memory_space<semaphore_mem>>) attributes {dimension_semantics = [#tpu.dimension_semantics<core_parallel>, #tpu.dimension_semantics<subcore_parallel>], iteration_bounds = array<i64: 2, 16>, scalar_prefetch = 0 : i64, scratch_operands = 7 : i64, tpu.core_type = #tpu.core_type<sc_vector_subcore>, window_params = [{transform_indices = #map}, {transform_indices = #map1}, {transform_indices = #map}]} {
    %mul3A = arith.constant 2 : i32
    %mul3A_0 = arith.muli %arg1, %mul3A : i32
    %add3A = arith.addi %mul3A_0, %arg0 : i32
    %mul3A_1 = arith.constant 1280 : i32
    %mul3A_2 = arith.muli %add3A, %mul3A_1 : i32
    "tpu.region"() ({
      %run_scoped3A = tpu.sem_alloc : memref<!tpu.dma_semaphore, #tpu.memory_space<semaphore_mem>>
      %dma_start3A = tpu.memref_slice %arg3[%mul3A_2] : memref<40968xi32, #tpu.memory_space<hbm>> -> memref<1288xi32, #tpu.memory_space<hbm>>
      %dma_start3A_10 = tpu.memref_slice %arg3[%mul3A_2] : memref<40968xi32, #tpu.memory_space<hbm>> -> memref<1288xi32, #tpu.memory_space<hbm>>
      tpu.enqueue_dma source(%dma_start3A_10 : memref<1288xi32, #tpu.memory_space<hbm>>) target(%arg5 : memref<1288xi32, #tpu.memory_space<vmem>>) target_semaphore(%run_scoped3A : memref<!tpu.dma_semaphore, #tpu.memory_space<semaphore_mem>>)
      %dma_wait3A = tpu.memref_slice %arg3[%mul3A_2] : memref<40968xi32, #tpu.memory_space<hbm>> -> memref<1288xi32, #tpu.memory_space<hbm>>
      %dma_wait3A_11 = tpu.memref_slice %arg3[%mul3A_2] : memref<40968xi32, #tpu.memory_space<hbm>> -> memref<1288xi32, #tpu.memory_space<hbm>>
      tpu.wait_dma2 semaphore(%run_scoped3A : memref<!tpu.dma_semaphore, #tpu.memory_space<semaphore_mem>>) src(%dma_wait3A_11 : memref<1288xi32, #tpu.memory_space<hbm>>) dst(%arg5 : memref<1288xi32, #tpu.memory_space<vmem>>)
      tpu.yield
    }) : () -> ()
    %scan3A = arith.constant 0 : i32
    %scan3A_3 = arith.constant 0 : i32
    %scan3A_4 = arith.constant 42 : i32
    %scan3A_5 = arith.addi %scan3A_3, %scan3A_4 : i32
    %scan3A_6 = arith.constant 1 : i32
    scf.for %scan3A_10 = %scan3A_3 to %scan3A_5 step %scan3A_6  : i32 {
      %mul3A_11 = arith.constant 2 : i32
      %mul3A_12 = arith.muli %mul3A_11, %scan3A_10 : i32
      %sub3A = arith.constant 2 : i32
      %sub3A_13 = arith.subi %mul3A_12, %sub3A : i32
      %mul3A_14 = arith.constant 1 : i32
      %mul3A_15 = arith.muli %sub3A_13, %mul3A_14 : i32
      %add3A_16 = arith.constant 0 : i32
      %add3A_17 = arith.addi %mul3A_15, %add3A_16 : i32
      %ge3A = arith.constant 0 : i32
      %ge3A_18 = arith.cmpi sge, %add3A_17, %ge3A : i32
      %lt3A = arith.constant 80 : i32
      %lt3A_19 = arith.cmpi slt, %add3A_17, %lt3A : i32
      %and3A = arith.andi %ge3A_18, %lt3A_19 : i1
      %convert_element_type3A_20 = arith.extui %and3A : i1 to i32
      %cond3A_21 = arith.constant 0 : i32
      %cond3A_22 = arith.cmpi ne, %convert_element_type3A_20, %cond3A_21 : i32
      scf.if %cond3A_22 {
        %dma_wait3A = arith.constant 0 : i32
        %dma_wait3A_87 = arith.constant 0 : i32
        %dma_wait3A_88 = arith.constant 0 : i32
        %dma_wait3A_89 = arith.constant 0 : i32
        %dma_wait3A_90 = tpu.memref_slice %arg6[%dma_wait3A, %dma_wait3A_87, %dma_wait3A_88, %dma_wait3A_89] : memref<2x16x16x128xf32, #tpu.memory_space<vmem>> -> memref<1x16x16x128xf32, #tpu.memory_space<vmem>>
        %dma_wait3A_91 = tpu.memref_squeeze %dma_wait3A_90 : memref<1x16x16x128xf32, #tpu.memory_space<vmem>> -> memref<16x16x128xf32, #tpu.memory_space<vmem>>
        %dma_wait3A_92 = arith.constant 0 : i32
        %dma_wait3A_93 = arith.constant 0 : i32
        %dma_wait3A_94 = arith.constant 0 : i32
        %dma_wait3A_95 = tpu.memref_slice %arg4[%dma_wait3A_92, %dma_wait3A_93, %dma_wait3A_94] : memref<40962x16x128xf32, #tpu.memory_space<hbm>> -> memref<16x16x128xf32, #tpu.memory_space<hbm>>
        %dma_wait3A_96 = arith.constant 0 : i32
        %dma_wait3A_97 = arith.constant 0 : i32
        %dma_wait3A_98 = arith.constant 0 : i32
        %dma_wait3A_99 = tpu.memref_slice %arg4[%dma_wait3A_96, %dma_wait3A_97, %dma_wait3A_98] : memref<40962x16x128xf32, #tpu.memory_space<hbm>> -> memref<16x16x128xf32, #tpu.memory_space<hbm>>
        %dma_wait3A_100 = arith.constant 0 : i32
        %dma_wait3A_101 = arith.constant 0 : i32
        %dma_wait3A_102 = arith.constant 0 : i32
        %dma_wait3A_103 = tpu.memref_slice %arg6[%dma_wait3A, %dma_wait3A_100, %dma_wait3A_101, %dma_wait3A_102] : memref<2x16x16x128xf32, #tpu.memory_space<vmem>> -> memref<1x16x16x128xf32, #tpu.memory_space<vmem>>
        %dma_wait3A_104 = tpu.memref_squeeze %dma_wait3A_103 : memref<1x16x16x128xf32, #tpu.memory_space<vmem>> -> memref<16x16x128xf32, #tpu.memory_space<vmem>>
        tpu.wait_dma2 semaphore(%arg9 : memref<!tpu.dma_semaphore, #tpu.memory_space<semaphore_mem>>) src(%dma_wait3A_104 : memref<16x16x128xf32, #tpu.memory_space<vmem>>) dst(%dma_wait3A_99 : memref<16x16x128xf32, #tpu.memory_space<hbm>>)
      } else {
      }
      %mul3A_23 = arith.constant 1 : i32
      %mul3A_24 = arith.muli %mul3A_12, %mul3A_23 : i32
      %add3A_25 = arith.constant 0 : i32
      %add3A_26 = arith.addi %mul3A_24, %add3A_25 : i32
      %lt3A_27 = arith.constant 80 : i32
      %lt3A_28 = arith.cmpi slt, %add3A_26, %lt3A_27 : i32
      %convert_element_type3A_29 = arith.extui %lt3A_28 : i1 to i32
      %cond3A_30 = arith.constant 0 : i32
      %cond3A_31 = arith.cmpi ne, %convert_element_type3A_29, %cond3A_30 : i32
      scf.if %cond3A_31 {
        %mul3A_87 = arith.constant 16 : i32
        %mul3A_88 = arith.muli %add3A_26, %mul3A_87 : i32
        %dma_start3A = arith.constant 0 : i32
        %dma_start3A_89 = arith.constant 0 : i32
        %dma_start3A_90 = arith.constant 0 : i32
        %dma_start3A_91 = arith.constant 0 : i32
        %dma_start3A_92 = tpu.memref_slice %arg6[%dma_start3A, %dma_start3A_89, %dma_start3A_90, %dma_start3A_91] : memref<2x16x16x128xf32, #tpu.memory_space<vmem>> -> memref<1x16x16x128xf32, #tpu.memory_space<vmem>>
        %dma_start3A_93 = tpu.memref_squeeze %dma_start3A_92 : memref<1x16x16x128xf32, #tpu.memory_space<vmem>> -> memref<16x16x128xf32, #tpu.memory_space<vmem>>
        %dma_start3A_94 = tpu.memref_slice %arg5[%mul3A_88] : memref<1288xi32, #tpu.memory_space<vmem>> -> memref<16xi32, #tpu.memory_space<vmem>>
        %dma_start3A_95 = arith.constant 0 : i32
        %dma_start3A_96 = arith.constant 0 : i32
        %dma_start3A_97 = arith.constant 0 : i32
        %dma_start3A_98 = tpu.memref_slice %arg2[%dma_start3A_95, %dma_start3A_96, %dma_start3A_97] : memref<10242x16x128xf32, #tpu.memory_space<hbm>> -> memref<10242x16x128xf32, #tpu.memory_space<hbm>>
        tpu.enqueue_indirect_dma source(%dma_start3A_98 : memref<10242x16x128xf32, #tpu.memory_space<hbm>>) target(%dma_start3A_93 : memref<16x16x128xf32, #tpu.memory_space<vmem>>) offsets(%dma_start3A_94 : memref<16xi32, #tpu.memory_space<vmem>>) semaphore(%arg7 : memref<!tpu.dma_semaphore, #tpu.memory_space<semaphore_mem>>)
      } else {
      }
      %sub3A_32 = arith.constant 1 : i32
      %sub3A_33 = arith.subi %mul3A_12, %sub3A_32 : i32
      %mul3A_34 = arith.constant 1 : i32
      %mul3A_35 = arith.muli %sub3A_33, %mul3A_34 : i32
      %add3A_36 = arith.constant 0 : i32
      %add3A_37 = arith.addi %mul3A_35, %add3A_36 : i32
      %ge3A_38 = arith.constant 0 : i32
      %ge3A_39 = arith.cmpi sge, %add3A_37, %ge3A_38 : i32
      %lt3A_40 = arith.constant 80 : i32
      %lt3A_41 = arith.cmpi slt, %add3A_37, %lt3A_40 : i32
      %and3A_42 = arith.andi %ge3A_39, %lt3A_41 : i1
      %convert_element_type3A_43 = arith.extui %and3A_42 : i1 to i32
      %cond3A_44 = arith.constant 0 : i32
      %cond3A_45 = arith.cmpi ne, %convert_element_type3A_43, %cond3A_44 : i32
      scf.if %cond3A_45 {
        %dma_wait3A = arith.constant 1 : i32
        %dma_wait3A_87 = arith.constant 0 : i32
        %dma_wait3A_88 = arith.constant 0 : i32
        %dma_wait3A_89 = arith.constant 0 : i32
        %dma_wait3A_90 = tpu.memref_slice %arg6[%dma_wait3A, %dma_wait3A_87, %dma_wait3A_88, %dma_wait3A_89] : memref<2x16x16x128xf32, #tpu.memory_space<vmem>> -> memref<1x16x16x128xf32, #tpu.memory_space<vmem>>
        %dma_wait3A_91 = tpu.memref_squeeze %dma_wait3A_90 : memref<1x16x16x128xf32, #tpu.memory_space<vmem>> -> memref<16x16x128xf32, #tpu.memory_space<vmem>>
        %dma_wait3A_92 = arith.constant 0 : i32
        %dma_wait3A_93 = tpu.memref_slice %arg5[%dma_wait3A_92] : memref<1288xi32, #tpu.memory_space<vmem>> -> memref<16xi32, #tpu.memory_space<vmem>>
        %dma_wait3A_94 = arith.constant 0 : i32
        %dma_wait3A_95 = arith.constant 0 : i32
        %dma_wait3A_96 = arith.constant 0 : i32
        %dma_wait3A_97 = tpu.memref_slice %arg2[%dma_wait3A_94, %dma_wait3A_95, %dma_wait3A_96] : memref<10242x16x128xf32, #tpu.memory_space<hbm>> -> memref<10242x16x128xf32, #tpu.memory_space<hbm>>
        tpu.wait_indirect_dma semaphore(%arg8 : memref<!tpu.dma_semaphore, #tpu.memory_space<semaphore_mem>>) src(%dma_wait3A_97 : memref<10242x16x128xf32, #tpu.memory_space<hbm>>) dst(%dma_wait3A_91 : memref<16x16x128xf32, #tpu.memory_space<vmem>>)
        %mul3A_98 = arith.constant 16 : i32
        %mul3A_99 = arith.muli %add3A_37, %mul3A_98 : i32
        %add3A_100 = arith.addi %mul3A_2, %mul3A_99 : i32
        %dma_start3A = arith.constant 1 : i32
        %dma_start3A_101 = arith.constant 0 : i32
        %dma_start3A_102 = arith.constant 0 : i32
        %dma_start3A_103 = arith.constant 0 : i32
        %dma_start3A_104 = tpu.memref_slice %arg6[%dma_start3A, %dma_start3A_101, %dma_start3A_102, %dma_start3A_103] : memref<2x16x16x128xf32, #tpu.memory_space<vmem>> -> memref<1x16x16x128xf32, #tpu.memory_space<vmem>>
        %dma_start3A_105 = tpu.memref_squeeze %dma_start3A_104 : memref<1x16x16x128xf32, #tpu.memory_space<vmem>> -> memref<16x16x128xf32, #tpu.memory_space<vmem>>
        %dma_start3A_106 = arith.constant 0 : i32
        %dma_start3A_107 = arith.constant 0 : i32
        %dma_start3A_108 = tpu.memref_slice %arg4[%add3A_100, %dma_start3A_106, %dma_start3A_107] : memref<40962x16x128xf32, #tpu.memory_space<hbm>> -> memref<16x16x128xf32, #tpu.memory_space<hbm>>
        %dma_start3A_109 = arith.constant 0 : i32
        %dma_start3A_110 = arith.constant 0 : i32
        %dma_start3A_111 = tpu.memref_slice %arg4[%add3A_100, %dma_start3A_109, %dma_start3A_110] : memref<40962x16x128xf32, #tpu.memory_space<hbm>> -> memref<16x16x128xf32, #tpu.memory_space<hbm>>
        %dma_start3A_112 = arith.constant 0 : i32
        %dma_start3A_113 = arith.constant 0 : i32
        %dma_start3A_114 = arith.constant 0 : i32
        %dma_start3A_115 = tpu.memref_slice %arg6[%dma_start3A, %dma_start3A_112, %dma_start3A_113, %dma_start3A_114] : memref<2x16x16x128xf32, #tpu.memory_space<vmem>> -> memref<1x16x16x128xf32, #tpu.memory_space<vmem>>
        %dma_start3A_116 = tpu.memref_squeeze %dma_start3A_115 : memref<1x16x16x128xf32, #tpu.memory_space<vmem>> -> memref<16x16x128xf32, #tpu.memory_space<vmem>>
        tpu.enqueue_dma source(%dma_start3A_116 : memref<16x16x128xf32, #tpu.memory_space<vmem>>) target(%dma_start3A_111 : memref<16x16x128xf32, #tpu.memory_space<hbm>>) target_semaphore(%arg10 : memref<!tpu.dma_semaphore, #tpu.memory_space<semaphore_mem>>)
      } else {
      }
      %mul3A_46 = arith.constant 2 : i32
      %mul3A_47 = arith.muli %mul3A_46, %scan3A_10 : i32
      %add3A_48 = arith.constant 1 : i32
      %add3A_49 = arith.addi %mul3A_47, %add3A_48 : i32
      %sub3A_50 = arith.constant 2 : i32
      %sub3A_51 = arith.subi %add3A_49, %sub3A_50 : i32
      %mul3A_52 = arith.constant 1 : i32
      %mul3A_53 = arith.muli %sub3A_51, %mul3A_52 : i32
      %add3A_54 = arith.constant 0 : i32
      %add3A_55 = arith.addi %mul3A_53, %add3A_54 : i32
      %ge3A_56 = arith.constant 0 : i32
      %ge3A_57 = arith.cmpi sge, %add3A_55, %ge3A_56 : i32
      %lt3A_58 = arith.constant 80 : i32
      %lt3A_59 = arith.cmpi slt, %add3A_55, %lt3A_58 : i32
      %and3A_60 = arith.andi %ge3A_57, %lt3A_59 : i1
      %convert_element_type3A_61 = arith.extui %and3A_60 : i1 to i32
      %cond3A_62 = arith.constant 0 : i32
      %cond3A_63 = arith.cmpi ne, %convert_element_type3A_61, %cond3A_62 : i32
      scf.if %cond3A_63 {
        %dma_wait3A = arith.constant 1 : i32
        %dma_wait3A_87 = arith.constant 0 : i32
        %dma_wait3A_88 = arith.constant 0 : i32
        %dma_wait3A_89 = arith.constant 0 : i32
        %dma_wait3A_90 = tpu.memref_slice %arg6[%dma_wait3A, %dma_wait3A_87, %dma_wait3A_88, %dma_wait3A_89] : memref<2x16x16x128xf32, #tpu.memory_space<vmem>> -> memref<1x16x16x128xf32, #tpu.memory_space<vmem>>
        %dma_wait3A_91 = tpu.memref_squeeze %dma_wait3A_90 : memref<1x16x16x128xf32, #tpu.memory_space<vmem>> -> memref<16x16x128xf32, #tpu.memory_space<vmem>>
        %dma_wait3A_92 = arith.constant 0 : i32
        %dma_wait3A_93 = arith.constant 0 : i32
        %dma_wait3A_94 = arith.constant 0 : i32
        %dma_wait3A_95 = tpu.memref_slice %arg4[%dma_wait3A_92, %dma_wait3A_93, %dma_wait3A_94] : memref<40962x16x128xf32, #tpu.memory_space<hbm>> -> memref<16x16x128xf32, #tpu.memory_space<hbm>>
        %dma_wait3A_96 = arith.constant 0 : i32
        %dma_wait3A_97 = arith.constant 0 : i32
        %dma_wait3A_98 = arith.constant 0 : i32
        %dma_wait3A_99 = tpu.memref_slice %arg4[%dma_wait3A_96, %dma_wait3A_97, %dma_wait3A_98] : memref<40962x16x128xf32, #tpu.memory_space<hbm>> -> memref<16x16x128xf32, #tpu.memory_space<hbm>>
        %dma_wait3A_100 = arith.constant 0 : i32
        %dma_wait3A_101 = arith.constant 0 : i32
        %dma_wait3A_102 = arith.constant 0 : i32
        %dma_wait3A_103 = tpu.memref_slice %arg6[%dma_wait3A, %dma_wait3A_100, %dma_wait3A_101, %dma_wait3A_102] : memref<2x16x16x128xf32, #tpu.memory_space<vmem>> -> memref<1x16x16x128xf32, #tpu.memory_space<vmem>>
        %dma_wait3A_104 = tpu.memref_squeeze %dma_wait3A_103 : memref<1x16x16x128xf32, #tpu.memory_space<vmem>> -> memref<16x16x128xf32, #tpu.memory_space<vmem>>
        tpu.wait_dma2 semaphore(%arg10 : memref<!tpu.dma_semaphore, #tpu.memory_space<semaphore_mem>>) src(%dma_wait3A_104 : memref<16x16x128xf32, #tpu.memory_space<vmem>>) dst(%dma_wait3A_99 : memref<16x16x128xf32, #tpu.memory_space<hbm>>)
      } else {
      }
      %mul3A_64 = arith.constant 1 : i32
      %mul3A_65 = arith.muli %add3A_49, %mul3A_64 : i32
      %add3A_66 = arith.constant 0 : i32
      %add3A_67 = arith.addi %mul3A_65, %add3A_66 : i32
      %lt3A_68 = arith.constant 80 : i32
      %lt3A_69 = arith.cmpi slt, %add3A_67, %lt3A_68 : i32
      %convert_element_type3A_70 = arith.extui %lt3A_69 : i1 to i32
      %cond3A_71 = arith.constant 0 : i32
      %cond3A_72 = arith.cmpi ne, %convert_element_type3A_70, %cond3A_71 : i32
      scf.if %cond3A_72 {
        %mul3A_87 = arith.constant 16 : i32
        %mul3A_88 = arith.muli %add3A_67, %mul3A_87 : i32
        %dma_start3A = arith.constant 1 : i32
        %dma_start3A_89 = arith.constant 0 : i32
        %dma_start3A_90 = arith.constant 0 : i32
        %dma_start3A_91 = arith.constant 0 : i32
        %dma_start3A_92 = tpu.memref_slice %arg6[%dma_start3A, %dma_start3A_89, %dma_start3A_90, %dma_start3A_91] : memref<2x16x16x128xf32, #tpu.memory_space<vmem>> -> memref<1x16x16x128xf32, #tpu.memory_space<vmem>>
        %dma_start3A_93 = tpu.memref_squeeze %dma_start3A_92 : memref<1x16x16x128xf32, #tpu.memory_space<vmem>> -> memref<16x16x128xf32, #tpu.memory_space<vmem>>
        %dma_start3A_94 = tpu.memref_slice %arg5[%mul3A_88] : memref<1288xi32, #tpu.memory_space<vmem>> -> memref<16xi32, #tpu.memory_space<vmem>>
        %dma_start3A_95 = arith.constant 0 : i32
        %dma_start3A_96 = arith.constant 0 : i32
        %dma_start3A_97 = arith.constant 0 : i32
        %dma_start3A_98 = tpu.memref_slice %arg2[%dma_start3A_95, %dma_start3A_96, %dma_start3A_97] : memref<10242x16x128xf32, #tpu.memory_space<hbm>> -> memref<10242x16x128xf32, #tpu.memory_space<hbm>>
        tpu.enqueue_indirect_dma source(%dma_start3A_98 : memref<10242x16x128xf32, #tpu.memory_space<hbm>>) target(%dma_start3A_93 : memref<16x16x128xf32, #tpu.memory_space<vmem>>) offsets(%dma_start3A_94 : memref<16xi32, #tpu.memory_space<vmem>>) semaphore(%arg8 : memref<!tpu.dma_semaphore, #tpu.memory_space<semaphore_mem>>)
      } else {
      }
      %sub3A_73 = arith.constant 1 : i32
      %sub3A_74 = arith.subi %add3A_49, %sub3A_73 : i32
      %mul3A_75 = arith.constant 1 : i32
      %mul3A_76 = arith.muli %sub3A_74, %mul3A_75 : i32
      %add3A_77 = arith.constant 0 : i32
      %add3A_78 = arith.addi %mul3A_76, %add3A_77 : i32
      %ge3A_79 = arith.constant 0 : i32
      %ge3A_80 = arith.cmpi sge, %add3A_78, %ge3A_79 : i32
      %lt3A_81 = arith.constant 80 : i32
      %lt3A_82 = arith.cmpi slt, %add3A_78, %lt3A_81 : i32
      %and3A_83 = arith.andi %ge3A_80, %lt3A_82 : i1
      %convert_element_type3A_84 = arith.extui %and3A_83 : i1 to i32
      %cond3A_85 = arith.constant 0 : i32
      %cond3A_86 = arith.cmpi ne, %convert_element_type3A_84, %cond3A_85 : i32
      scf.if %cond3A_86 {
        %dma_wait3A = arith.constant 0 : i32
        %dma_wait3A_87 = arith.constant 0 : i32
        %dma_wait3A_88 = arith.constant 0 : i32
        %dma_wait3A_89 = arith.constant 0 : i32
        %dma_wait3A_90 = tpu.memref_slice %arg6[%dma_wait3A, %dma_wait3A_87, %dma_wait3A_88, %dma_wait3A_89] : memref<2x16x16x128xf32, #tpu.memory_space<vmem>> -> memref<1x16x16x128xf32, #tpu.memory_space<vmem>>
        %dma_wait3A_91 = tpu.memref_squeeze %dma_wait3A_90 : memref<1x16x16x128xf32, #tpu.memory_space<vmem>> -> memref<16x16x128xf32, #tpu.memory_space<vmem>>
        %dma_wait3A_92 = arith.constant 0 : i32
        %dma_wait3A_93 = tpu.memref_slice %arg5[%dma_wait3A_92] : memref<1288xi32, #tpu.memory_space<vmem>> -> memref<16xi32, #tpu.memory_space<vmem>>
        %dma_wait3A_94 = arith.constant 0 : i32
        %dma_wait3A_95 = arith.constant 0 : i32
        %dma_wait3A_96 = arith.constant 0 : i32
        %dma_wait3A_97 = tpu.memref_slice %arg2[%dma_wait3A_94, %dma_wait3A_95, %dma_wait3A_96] : memref<10242x16x128xf32, #tpu.memory_space<hbm>> -> memref<10242x16x128xf32, #tpu.memory_space<hbm>>
        tpu.wait_indirect_dma semaphore(%arg7 : memref<!tpu.dma_semaphore, #tpu.memory_space<semaphore_mem>>) src(%dma_wait3A_97 : memref<10242x16x128xf32, #tpu.memory_space<hbm>>) dst(%dma_wait3A_91 : memref<16x16x128xf32, #tpu.memory_space<vmem>>)
        %mul3A_98 = arith.constant 16 : i32
        %mul3A_99 = arith.muli %add3A_78, %mul3A_98 : i32
        %add3A_100 = arith.addi %mul3A_2, %mul3A_99 : i32
        %dma_start3A = arith.constant 0 : i32
        %dma_start3A_101 = arith.constant 0 : i32
        %dma_start3A_102 = arith.constant 0 : i32
        %dma_start3A_103 = arith.constant 0 : i32
        %dma_start3A_104 = tpu.memref_slice %arg6[%dma_start3A, %dma_start3A_101, %dma_start3A_102, %dma_start3A_103] : memref<2x16x16x128xf32, #tpu.memory_space<vmem>> -> memref<1x16x16x128xf32, #tpu.memory_space<vmem>>
        %dma_start3A_105 = tpu.memref_squeeze %dma_start3A_104 : memref<1x16x16x128xf32, #tpu.memory_space<vmem>> -> memref<16x16x128xf32, #tpu.memory_space<vmem>>
        %dma_start3A_106 = arith.constant 0 : i32
        %dma_start3A_107 = arith.constant 0 : i32
        %dma_start3A_108 = tpu.memref_slice %arg4[%add3A_100, %dma_start3A_106, %dma_start3A_107] : memref<40962x16x128xf32, #tpu.memory_space<hbm>> -> memref<16x16x128xf32, #tpu.memory_space<hbm>>
        %dma_start3A_109 = arith.constant 0 : i32
        %dma_start3A_110 = arith.constant 0 : i32
        %dma_start3A_111 = tpu.memref_slice %arg4[%add3A_100, %dma_start3A_109, %dma_start3A_110] : memref<40962x16x128xf32, #tpu.memory_space<hbm>> -> memref<16x16x128xf32, #tpu.memory_space<hbm>>
        %dma_start3A_112 = arith.constant 0 : i32
        %dma_start3A_113 = arith.constant 0 : i32
        %dma_start3A_114 = arith.constant 0 : i32
        %dma_start3A_115 = tpu.memref_slice %arg6[%dma_start3A, %dma_start3A_112, %dma_start3A_113, %dma_start3A_114] : memref<2x16x16x128xf32, #tpu.memory_space<vmem>> -> memref<1x16x16x128xf32, #tpu.memory_space<vmem>>
        %dma_start3A_116 = tpu.memref_squeeze %dma_start3A_115 : memref<1x16x16x128xf32, #tpu.memory_space<vmem>> -> memref<16x16x128xf32, #tpu.memory_space<vmem>>
        tpu.enqueue_dma source(%dma_start3A_116 : memref<16x16x128xf32, #tpu.memory_space<vmem>>) target(%dma_start3A_111 : memref<16x16x128xf32, #tpu.memory_space<hbm>>) target_semaphore(%arg9 : memref<!tpu.dma_semaphore, #tpu.memory_space<semaphore_mem>>)
      } else {
      }
    }
    %scan3A_7 = arith.constant 42 : i32
    %eq3A = arith.constant 31 : i32
    %eq3A_8 = arith.cmpi eq, %add3A, %eq3A : i32
    %convert_element_type3A = arith.extui %eq3A_8 : i1 to i32
    %cond3A = arith.constant 0 : i32
    %cond3A_9 = arith.cmpi ne, %convert_element_type3A, %cond3A : i32
    scf.if %cond3A_9 {
      %dma_start3A = arith.constant 0 : i32
      %dma_start3A_10 = arith.constant 0 : i32
      %dma_start3A_11 = arith.constant 0 : i32
      %dma_start3A_12 = arith.constant 0 : i32
      %dma_start3A_13 = tpu.memref_slice %arg6[%dma_start3A, %dma_start3A_10, %dma_start3A_11, %dma_start3A_12] : memref<2x16x16x128xf32, #tpu.memory_space<vmem>> -> memref<1x16x16x128xf32, #tpu.memory_space<vmem>>
      %dma_start3A_14 = tpu.memref_squeeze %dma_start3A_13 : memref<1x16x16x128xf32, #tpu.memory_space<vmem>> -> memref<16x16x128xf32, #tpu.memory_space<vmem>>
      %dma_start3A_15 = arith.constant 0 : i32
      %dma_start3A_16 = arith.constant 0 : i32
      %dma_start3A_17 = arith.constant 0 : i32
      %dma_start3A_18 = tpu.memref_slice %dma_start3A_14[%dma_start3A_15, %dma_start3A_16, %dma_start3A_17] : memref<16x16x128xf32, #tpu.memory_space<vmem>> -> memref<2x16x128xf32, #tpu.memory_space<vmem>>
      %dma_start3A_19 = arith.constant 1280 : i32
      %dma_start3A_20 = tpu.memref_slice %arg5[%dma_start3A_19] : memref<1288xi32, #tpu.memory_space<vmem>> -> memref<2xi32, #tpu.memory_space<vmem>>
      %dma_start3A_21 = arith.constant 0 : i32
      %dma_start3A_22 = arith.constant 0 : i32
      %dma_start3A_23 = arith.constant 0 : i32
      %dma_start3A_24 = tpu.memref_slice %arg2[%dma_start3A_21, %dma_start3A_22, %dma_start3A_23] : memref<10242x16x128xf32, #tpu.memory_space<hbm>> -> memref<10242x16x128xf32, #tpu.memory_space<hbm>>
      tpu.enqueue_indirect_dma source(%dma_start3A_24 : memref<10242x16x128xf32, #tpu.memory_space<hbm>>) target(%dma_start3A_18 : memref<2x16x128xf32, #tpu.memory_space<vmem>>) offsets(%dma_start3A_20 : memref<2xi32, #tpu.memory_space<vmem>>) semaphore(%arg11 : memref<!tpu.dma_semaphore, #tpu.memory_space<semaphore_mem>>)
      %dma_wait3A = arith.constant 0 : i32
      %dma_wait3A_25 = arith.constant 0 : i32
      %dma_wait3A_26 = arith.constant 0 : i32
      %dma_wait3A_27 = arith.constant 0 : i32
      %dma_wait3A_28 = tpu.memref_slice %arg6[%dma_wait3A, %dma_wait3A_25, %dma_wait3A_26, %dma_wait3A_27] : memref<2x16x16x128xf32, #tpu.memory_space<vmem>> -> memref<1x16x16x128xf32, #tpu.memory_space<vmem>>
      %dma_wait3A_29 = tpu.memref_squeeze %dma_wait3A_28 : memref<1x16x16x128xf32, #tpu.memory_space<vmem>> -> memref<16x16x128xf32, #tpu.memory_space<vmem>>
      %dma_wait3A_30 = arith.constant 0 : i32
      %dma_wait3A_31 = arith.constant 0 : i32
      %dma_wait3A_32 = arith.constant 0 : i32
      %dma_wait3A_33 = tpu.memref_slice %dma_wait3A_29[%dma_wait3A_30, %dma_wait3A_31, %dma_wait3A_32] : memref<16x16x128xf32, #tpu.memory_space<vmem>> -> memref<2x16x128xf32, #tpu.memory_space<vmem>>
      %dma_wait3A_34 = arith.constant 1280 : i32
      %dma_wait3A_35 = tpu.memref_slice %arg5[%dma_wait3A_34] : memref<1288xi32, #tpu.memory_space<vmem>> -> memref<2xi32, #tpu.memory_space<vmem>>
      %dma_wait3A_36 = arith.constant 0 : i32
      %dma_wait3A_37 = arith.constant 0 : i32
      %dma_wait3A_38 = arith.constant 0 : i32
      %dma_wait3A_39 = tpu.memref_slice %arg2[%dma_wait3A_36, %dma_wait3A_37, %dma_wait3A_38] : memref<10242x16x128xf32, #tpu.memory_space<hbm>> -> memref<10242x16x128xf32, #tpu.memory_space<hbm>>
      tpu.wait_indirect_dma semaphore(%arg11 : memref<!tpu.dma_semaphore, #tpu.memory_space<semaphore_mem>>) src(%dma_wait3A_39 : memref<10242x16x128xf32, #tpu.memory_space<hbm>>) dst(%dma_wait3A_33 : memref<2x16x128xf32, #tpu.memory_space<vmem>>)
      %add3A_40 = arith.constant 1280 : i32
      %add3A_41 = arith.addi %mul3A_2, %add3A_40 : i32
      %dma_start3A_42 = arith.constant 0 : i32
      %dma_start3A_43 = arith.constant 0 : i32
      %dma_start3A_44 = arith.constant 0 : i32
      %dma_start3A_45 = arith.constant 0 : i32
      %dma_start3A_46 = tpu.memref_slice %arg6[%dma_start3A_42, %dma_start3A_43, %dma_start3A_44, %dma_start3A_45] : memref<2x16x16x128xf32, #tpu.memory_space<vmem>> -> memref<1x16x16x128xf32, #tpu.memory_space<vmem>>
      %dma_start3A_47 = tpu.memref_squeeze %dma_start3A_46 : memref<1x16x16x128xf32, #tpu.memory_space<vmem>> -> memref<16x16x128xf32, #tpu.memory_space<vmem>>
      %dma_start3A_48 = arith.constant 0 : i32
      %dma_start3A_49 = arith.constant 0 : i32
      %dma_start3A_50 = arith.constant 0 : i32
      %dma_start3A_51 = tpu.memref_slice %dma_start3A_47[%dma_start3A_48, %dma_start3A_49, %dma_start3A_50] : memref<16x16x128xf32, #tpu.memory_space<vmem>> -> memref<2x16x128xf32, #tpu.memory_space<vmem>>
      %dma_start3A_52 = arith.constant 0 : i32
      %dma_start3A_53 = arith.constant 0 : i32
      %dma_start3A_54 = tpu.memref_slice %arg4[%add3A_41, %dma_start3A_52, %dma_start3A_53] : memref<40962x16x128xf32, #tpu.memory_space<hbm>> -> memref<2x16x128xf32, #tpu.memory_space<hbm>>
      %dma_start3A_55 = arith.constant 0 : i32
      %dma_start3A_56 = arith.constant 0 : i32
      %dma_start3A_57 = tpu.memref_slice %arg4[%add3A_41, %dma_start3A_55, %dma_start3A_56] : memref<40962x16x128xf32, #tpu.memory_space<hbm>> -> memref<2x16x128xf32, #tpu.memory_space<hbm>>
      %dma_start3A_58 = arith.constant 0 : i32
      %dma_start3A_59 = arith.constant 0 : i32
      %dma_start3A_60 = arith.constant 0 : i32
      %dma_start3A_61 = tpu.memref_slice %arg6[%dma_start3A_42, %dma_start3A_58, %dma_start3A_59, %dma_start3A_60] : memref<2x16x16x128xf32, #tpu.memory_space<vmem>> -> memref<1x16x16x128xf32, #tpu.memory_space<vmem>>
      %dma_start3A_62 = tpu.memref_squeeze %dma_start3A_61 : memref<1x16x16x128xf32, #tpu.memory_space<vmem>> -> memref<16x16x128xf32, #tpu.memory_space<vmem>>
      %dma_start3A_63 = arith.constant 0 : i32
      %dma_start3A_64 = arith.constant 0 : i32
      %dma_start3A_65 = arith.constant 0 : i32
      %dma_start3A_66 = tpu.memref_slice %dma_start3A_62[%dma_start3A_63, %dma_start3A_64, %dma_start3A_65] : memref<16x16x128xf32, #tpu.memory_space<vmem>> -> memref<2x16x128xf32, #tpu.memory_space<vmem>>
      tpu.enqueue_dma source(%dma_start3A_66 : memref<2x16x128xf32, #tpu.memory_space<vmem>>) target(%dma_start3A_57 : memref<2x16x128xf32, #tpu.memory_space<hbm>>) target_semaphore(%arg11 : memref<!tpu.dma_semaphore, #tpu.memory_space<semaphore_mem>>)
      %dma_wait3A_67 = arith.constant 0 : i32
      %dma_wait3A_68 = arith.constant 0 : i32
      %dma_wait3A_69 = arith.constant 0 : i32
      %dma_wait3A_70 = arith.constant 0 : i32
      %dma_wait3A_71 = tpu.memref_slice %arg6[%dma_wait3A_67, %dma_wait3A_68, %dma_wait3A_69, %dma_wait3A_70] : memref<2x16x16x128xf32, #tpu.memory_space<vmem>> -> memref<1x16x16x128xf32, #tpu.memory_space<vmem>>
      %dma_wait3A_72 = tpu.memref_squeeze %dma_wait3A_71 : memref<1x16x16x128xf32, #tpu.memory_space<vmem>> -> memref<16x16x128xf32, #tpu.memory_space<vmem>>
      %dma_wait3A_73 = arith.constant 0 : i32
      %dma_wait3A_74 = arith.constant 0 : i32
      %dma_wait3A_75 = arith.constant 0 : i32
      %dma_wait3A_76 = tpu.memref_slice %dma_wait3A_72[%dma_wait3A_73, %dma_wait3A_74, %dma_wait3A_75] : memref<16x16x128xf32, #tpu.memory_space<vmem>> -> memref<2x16x128xf32, #tpu.memory_space<vmem>>
      %dma_wait3A_77 = arith.constant 0 : i32
      %dma_wait3A_78 = arith.constant 0 : i32
      %dma_wait3A_79 = tpu.memref_slice %arg4[%add3A_41, %dma_wait3A_77, %dma_wait3A_78] : memref<40962x16x128xf32, #tpu.memory_space<hbm>> -> memref<2x16x128xf32, #tpu.memory_space<hbm>>
      %dma_wait3A_80 = arith.constant 0 : i32
      %dma_wait3A_81 = arith.constant 0 : i32
      %dma_wait3A_82 = tpu.memref_slice %arg4[%add3A_41, %dma_wait3A_80, %dma_wait3A_81] : memref<40962x16x128xf32, #tpu.memory_space<hbm>> -> memref<2x16x128xf32, #tpu.memory_space<hbm>>
      %dma_wait3A_83 = arith.constant 0 : i32
      %dma_wait3A_84 = arith.constant 0 : i32
      %dma_wait3A_85 = arith.constant 0 : i32
      %dma_wait3A_86 = tpu.memref_slice %arg6[%dma_wait3A_67, %dma_wait3A_83, %dma_wait3A_84, %dma_wait3A_85] : memref<2x16x16x128xf32, #tpu.memory_space<vmem>> -> memref<1x16x16x128xf32, #tpu.memory_space<vmem>>
      %dma_wait3A_87 = tpu.memref_squeeze %dma_wait3A_86 : memref<1x16x16x128xf32, #tpu.memory_space<vmem>> -> memref<16x16x128xf32, #tpu.memory_space<vmem>>
      %dma_wait3A_88 = arith.constant 0 : i32
      %dma_wait3A_89 = arith.constant 0 : i32
      %dma_wait3A_90 = arith.constant 0 : i32
      %dma_wait3A_91 = tpu.memref_slice %dma_wait3A_87[%dma_wait3A_88, %dma_wait3A_89, %dma_wait3A_90] : memref<16x16x128xf32, #tpu.memory_space<vmem>> -> memref<2x16x128xf32, #tpu.memory_space<vmem>>
      tpu.wait_dma2 semaphore(%arg11 : memref<!tpu.dma_semaphore, #tpu.memory_space<semaphore_mem>>) src(%dma_wait3A_91 : memref<2x16x128xf32, #tpu.memory_space<vmem>>) dst(%dma_wait3A_82 : memref<2x16x128xf32, #tpu.memory_space<hbm>>)
    } else {
    }
    return
  }
}

</mosaic_0001>

<sc_bundles>
// kernel: kernel.3.cloned.1.call-start
scs
__scs_entry_jumppad:
0x0: {  	(pc) =	sbr.rel $0x88, $3  }
0x1: {  	(tag) =	ssettag $0x0;
	lr =	simm.s32 $0x1  }
0x2: {  	[smem:$0x3F9F] =	sst lr;
	_ =	strace $0xD0000000  }
0x3: {  	_ = 	snop  }
0x4: {  	_ = 	snop  }
0x5: {  	_ = 	snop  }
0x6: {  	_ = 	snop  }
0x7: {  	_ = 	snop  }
__scs_overlays_trampoline_lowered:
0x8: {  	[smem:$0x3FAE] =	sst s0  }
0x9: {  	[smem:$0x3FAF] =	sst s1  }
0xa: {  	[smem:$0x3FB0] =	sst s2  }
0xb: {  	[smem:$0x3FB1] =	sst s3  }
0xc: {  	[smem:$0x3FB2] =	sst s4  }
0xd: {  	[smem:$0x3FB3] =	sst s5  }
0xe: {  	[smem:$0x3FB4] =	sst s6  }
0xf: {  	[smem:$0x3FB5] =	sst s7  }
0x10: {  	[smem:$0x3FB6] =	sst s8  }
0x11: {  	[smem:$0x3FB7] =	sst s9;
	s0 =	simm.s32 @!p0 $0x0  }
0x12: {  	s1 =	sld [smem:$0x3F9D];
	s0 =	simm.s32 @p0 $0x1  }
0x13: {  	[smem:$0x3FB8] =	sst s0;
	s0 =	simm.s32 @!p1 $0x0  }
0x14: {  	s2 =	sld [smem:$0x3F9C];
	s0 =	simm.s32 @p1 $0x1  }
0x15: {  	[smem:$0x3FB9] =	sst s0;
	s0 =	simm.s32 @!p2 $0x0  }
0x16: {  	s3 =	sld [smem:$0x3FDB];
	s0 =	simm.s32 @p2 $0x1  }
0x17: {  	s4 =	simm.s32 $0x1BF5;
	[smem:$0x3FBB] =	sst s0  }
0x18: {  	s0 =	sld [smem:$0x3F9E];
	_ =	swait.ge [sflag:s4], $0x0  }
0x19: {  	s7 =	sld [smem:$0x3F9F]  }
0x1a: {  	s8 =	sadd.s32 $0xFFFFE003, lr  }
0x1b: {  	s9 =	sadd.s32 $0xFFFFFEF7, lr;
	s5 =	simm.s32 $0xFFFFFFFF;
	p2 =	slt.u32 s8, $0xFFFFF086  }
0x1c: {  	p1 =	slt.u32 s9, $0xF7A;
	s5 =	simm.s32 @!p2 $0x0  }
0x1d: {  	s5 =	simm.s32 @p1 $0x1;
	p0 =	seq.s32 s7, s2  }
0x1e: {  	s7 =	smul.u32 @!p0 $0xF7A, s2;
	p2 =	seq.s32 @!p0 s5, $0x0  }
0x1f: {  	s9 =	smul.u32 $0xF7A, s1;
	s8 =	simm.s32 @!p0 $0x1BF5;
	p2 =	por !p2, p0  }
0x20: {  	[sflag:s8] =	ssyncset.s32 @!p0 $0xFFFFF086;
	s6 =	sadd.s32 @!p0 s3, s7;
	s7 =	simm.s32 @!p0 $0x108  }
0x21: {  	s3 =	sadd.s32 s3, s9;
	s6 =	sadd.s32 @!p0 $0x88, s6;
	s7 =	simm.s32 @p2 $0x1082  }
0x22: {  	[simem:s7], [sflag:s8] =	dma.local @!p0 [hbm:s6], $0xF7A  }
0x23: {  	s9 =	sor.u32 $0xD0000000, s2;
	s6 =	simm.s32 $0x108;
	_ =	swait.ge @!p0 [sflag:s8], $0x0  }
0x24: {  	s3 =	sadd.s32 $0x88, s3;
	s6 =	simm.s32 @!p1 $0x1082;
	[sflag:s4] =	ssyncset.s32 $0xFFFFF086  }
0x25: {  	[simem:s6], [sflag:s4] =	dma.local [hbm:s3], $0xF7A  }
0x26: {  	[smem:$0x3F9F] =	sst s1;
	(tag) =	ssettag s2;
	_ =	strace s9  }
0x27: {  	s1 =	sld [smem:$0x3FAF]  }
0x28: {  	s2 =	sld [smem:$0x3FB0]  }
0x29: {  	s4 =	sld [smem:$0x3FB2]  }
0x2a: {  	p0 =	seq.s32 s5, $0x0;
	s5 =	sld [smem:$0x3FB3]  }
0x2b: {  	s6 =	sld [smem:$0x3FB4]  }
0x2c: {  	s7 =	sld [smem:$0x3FB5]  }
0x2d: {  	s3 =	simm.s32 $0x108;
	s8 =	sld [smem:$0x3FB6]  }
0x2e: {  	s3 =	simm.s32 @!p0 $0x1082;
	s9 =	sld [smem:$0x3FB7]  }
0x2f: {  	lr =	sadd.s32 s0, s3;
	s0 =	sld [smem:$0x3FAE]  }
0x30: {  	s3 =	sld [smem:$0x3FB1]  }
0x31: {  	[smem:$0x3FBA] =	sst s10  }
0x32: {  	s10 =	sld [smem:$0x3FB8];
	_ =	sdelay $0x3  }
0x33: {  	p0 =	seq.s32 s10, $0x1;
	s10 =	sld [smem:$0x3FBA];
	_ =	sdelay $0x3  }
0x34: {  	[smem:$0x3FBA] =	sst s10  }
0x35: {  	s10 =	sld [smem:$0x3FB9];
	_ =	sdelay $0x3  }
0x36: {  	p1 =	seq.s32 s10, $0x1;
	s10 =	sld [smem:$0x3FBA];
	_ =	sdelay $0x3  }
0x37: {  	[smem:$0x3FBA] =	sst s10  }
0x38: {  	s10 =	sld [smem:$0x3FBB]  }
0x39: {  	_ = 	snop;
	(pc) =	sbr.ind lr, $3  }
0x3a: {  	_ = 	snop  }
0x3b: {  	_ = 	snop  }
0x3c: {  	p2 =	seq.s32 s10, $0x1;
	s10 =	sld [smem:$0x3FBA]  }
0x3d: {  	_ =	shalt  }
0x3e: {  	_ =	shalt  }
0x3f: {  	_ =	shalt  }
0x40: {  	_ =	shalt  }
0x41: {  	_ =	shalt  }
0x42: {  	_ =	shalt  }
0x43: {  	_ =	shalt  }
0x44: {  	_ =	shalt  }
0x45: {  	_ =	shalt  }
0x46: {  	_ =	shalt  }
0x47: {  	_ =	shalt  }
0x48: {  	_ =	shalt  }
0x49: {  	_ =	shalt  }
0x4a: {  	_ =	shalt  }
0x4b: {  	_ =	shalt  }
0x4c: {  	_ =	shalt  }
0x4d: {  	_ =	shalt  }
0x4e: {  	_ =	shalt  }
0x4f: {  	_ =	shalt  }
0x50: {  	_ =	shalt  }
0x51: {  	_ =	shalt  }
0x52: {  	_ =	shalt  }
0x53: {  	_ =	shalt  }
0x54: {  	_ =	shalt  }
0x55: {  	_ =	shalt  }
0x56: {  	_ =	shalt  }
0x57: {  	_ =	shalt  }
0x58: {  	_ =	shalt  }
0x59: {  	_ =	shalt  }
0x5a: {  	_ =	shalt  }
0x5b: {  	_ =	shalt  }
0x5c: {  	_ =	shalt  }
0x5d: {  	_ =	shalt  }
0x5e: {  	_ =	shalt  }
0x5f: {  	_ =	shalt  }
0x60: {  	_ =	shalt  }
0x61: {  	_ =	shalt  }
0x62: {  	_ =	shalt  }
0x63: {  	_ =	shalt  }
0x64: {  	_ =	shalt  }
0x65: {  	_ =	shalt  }
0x66: {  	_ =	shalt  }
0x67: {  	_ =	shalt  }
0x68: {  	_ =	shalt  }
0x69: {  	_ =	shalt  }
0x6a: {  	_ =	shalt  }
0x6b: {  	_ =	shalt  }
0x6c: {  	_ =	shalt  }
0x6d: {  	_ =	shalt  }
0x6e: {  	_ =	shalt  }
0x6f: {  	_ =	shalt  }
0x70: {  	_ =	shalt  }
0x71: {  	_ =	shalt  }
0x72: {  	_ =	shalt  }
0x73: {  	_ =	shalt  }
0x74: {  	_ =	shalt  }
0x75: {  	_ =	shalt  }
0x76: {  	_ =	shalt  }
0x77: {  	_ =	shalt  }
0x78: {  	_ =	shalt  }
0x79: {  	_ =	shalt  }
0x7a: {  	_ =	shalt  }
0x7b: {  	_ =	shalt  }
0x7c: {  	_ =	shalt  }
0x7d: {  	_ =	shalt  }
0x7e: {  	_ =	shalt  }
0x7f: {  	_ =	shalt  }
0x80: {  	_ =	shalt  }
0x81: {  	_ =	shalt  }
0x82: {  	_ =	shalt  }
0x83: {  	_ =	shalt  }
0x84: {  	_ =	shalt  }
0x85: {  	_ =	shalt  }
0x86: {  	_ =	shalt  }
0x87: {  	_ =	shalt  }
.Lfunc_end0:
.L_simem_size_0:
called_computation_lowered:
.L_overlay_start_0:
0x88: {  	s2 =	sld [smem:$0x3FD9]  }
0x89: {  	s3 =	sld [smem:$0x3FFE];
	_ =	sdelay $0x1  }
0x8a: {  	s1 =	srdreg.scid  }
0x8b: {  	s0 =	sand.u32 $0x1, s1  }
0x8c: {  	s17 =	sshll.u32 s0, $0xA;
	s2 =	sadd.s32 s3, s2  }
0x8d: {  	s2 =	sadd.s32 s2, s17  }
0x8e: {  	[smem:$0x3FC6] =	sst s2  }
0x8f: {  	_ = 	snop  }
0x90: {  	s2 =	sld [smem:$0x3FC9]  }
0x91: {  	s18 =	sld [smem:$0x3FD0];
	(tm) =	ssettm $0x1  }
0x92: {  	s4 =	sld [smem:$0x3FFB];
	_ =	sdelay $0x3  }
0x93: {  	_ =	strace s4  }
0x94: {  	s4 =	sld [smem:$0x3FFC];
	_ =	sdelay $0x3  }
0x95: {  	_ =	strace s4  }
0x96: {  	s4 =	sld [smem:$0x3FFD];
	_ =	sdelay $0x3  }
0x97: {  	_ =	strace s4  }
0x98: {  	_ =	strace $0x8FFFFFFF  }
0x99: {  	s19 =	sld [smem:$0x3FDB];
	_ =	sdelay $0x1  }
0x9a: {  	s5 =	simm.s32 $_scs_section_size  }
0x9b: {  	s6 =	simm.s32 $_size__tile_overlayer_lowered;
	s7 =	simm.s32 $_tile_overlayer_lowered  }
0x9c: {  	s22 =	simm.s32 $0x1BFF;
	s21 =	sshll.u32 s7, $0x1;
	s4 =	sadd.s32 s5, s19  }
0x9d: {  	s8 =	simm.s32 $0x0;
	s20 =	sshll.u32 s6, $0x1;
	s6 =	sadd.s32 s21, s4  }
0x9e: {  	[timem:s8], [sflag:s22] =	dma.local [hbm:s6], s20  }
0x9f: {  	_ =	swait.ge [sflag:s22], s20  }
0xa0: {  	s5 =	ssub.s32 $0x0, s20;
	[sflag:s22] =	ssyncset.done $0x0  }
0xa1: {  	[sflag:s22] =	ssyncadd.s32 s5;
	_ =	sdelay $0x1  }
0xa2: {  	s23 =	simm.s32 $0x1B8B  }
0xa3: {  	_ =	swait.ge [sflag:s23], $0x1  }
0xa4: {  	[sflag:s23] =	ssyncset.done $0x0  }
0xa5: {  	s25 =	simm.s32 $0x1B8E;
	s24 =	sld [smem:$0x3FFE];
	[sflag:s23] =	ssyncadd.s32 $0xFFFFFFFF  }
0xa6: {  	s26 =	simm.s32 $execute0_lowered;
	[smem:$0x3FD2] =	sst s25  }
0xa7: {  	s6 =	sshll.u32 s26, $0x1;
	_ =	strace $0x80000046;
	[dreg:$0x1] =	wrdreg $0xFFFFFFFF  }
0xa8: {  	s28 =	simm.s32 $_size_execute0_lowered;
	s4 =	sadd.s32 s4, s6;
	[dreg:$0x0] =	wrdreg $0x0  }
0xa9: {  	s6 =	sshll.u32 s28, $0x1;
	[dreg:$0x2] =	wrdreg s4  }
0xaa: {  	[dreg:$0x3] =	wrdreg s6  }
0xab: {  	[dreg:$0x4] =	wrdreg $0xC0  }
0xac: {  	_ =	task [dreg:s8], $0x5FFFF  }
0xad: {  	[dreg:$0x1] =	wrdreg $0xFFFFFFFF  }
0xae: {  	[dreg:$0x0] =	wrdreg $0x60  }
0xaf: {  	[dreg:$0x2] =	wrdreg s2  }
0xb0: {  	[dreg:$0x3] =	wrdreg s24  }
0xb1: {  	[dreg:$0x4] =	wrdreg s18  }
0xb2: {  	[dreg:$0x5] =	wrdreg $0x9  }
0xb3: {  	_ =	task.clear_ibuf [dreg:s8], $0x6FFFF;
	_ =	strace $0x90000046  }
0xb4: {  	s29 =	simm.s32 $0x9;
	_ =	strace $0x80000048  }
0xb5: {  	_ =	swait.ge [sflag:s29], $0x1  }
0xb6: {  	[sflag:s29] =	ssyncadd.s32 $0xFFFFFFFF  }
0xb7: {  	_ =	strace $0x90000048  }
0xb8: {  	_ =	sfence  }
0xb9: {  	s30 =	sld [smem:$0x0];
	_ =	sdelay $0x2  }
0xba: {  	s31 =	sshll.u32 s1, $0xD;
	s1 =	sshrl.u32 s1, $0x2  }
0xbb: {  	s3 =	sand.u32 $0x4000, s31;
	s1 =	sadd.s32 s1, s30  }
0xbc: {  	s0 =	sor.u32 s3, s0;
	s1 =	sshll.u32 s1, $0x11  }
0xbd: {  	s0 =	sor.u32 s1, s0  }
0xbe: {  	s0 =	sadd.s32 $0x8F2B, s0  }
0xbf: {  	[sflag:s0] =	ssyncadd.remote.s32 $0x1  }
0xc0: {  	_ =	sfence.sel $0xFFFF  }
0xc1: {  	[dreg:$0x0] =	wrdreg $0xFFFFFFFF;
	(pc) =	sbr.abs _section_cstart, $3  }
0xc2: {  	[dreg:$0x1] =	wrdreg $0xFFFFFFFF  }
0xc3: {  	_ =	task.clear_ibuf [dreg:s8], $0x2FFFF;
	_ =	strace $0x9FFFFFFF  }
0xc4: {  	(tm) =	ssettm $0x7FFFFFFF  }
0xc5: {  	_ =	shalt  }
tec
execute0_lowered:
.L_overlay_start_1:
0x0: {  	(tag) =	ssettag $0x1  }
0x1: {  	s1 =	rddreg [dreg:$0x0]  }
0x2: {  	s2 =	srdreg.scid;
	s6 =	rddreg [dreg:$0x1]  }
0x3: {  	s0 =	stileid.u32;
	s3 =	rddreg [dreg:$0x2]  }
0x4: {  	s4 =	simm.s32 $0x0;
	s5 =	sand.u32 $0x1, s2;
	s2 =	rddreg [dreg:$0x3]  }
0x5: {  	s29 =	sshll.u32 s0, $0x1;
	s8 =	smul.u32 $0x500000, s0;
	[smem:$0x7FF] =	sst s4  }
0x6: {  	s11 =	sor.u32 s5, s29;
	s9 =	ssub.s32 $0x2, s5;
	s5 =	smul.u32 $0x280000, s5  }
0x7: {  	_ =	strace $0x80000047;
	s7 =	smul.u32 $0xA0, s11;
	s10 =	sshrl.u32 s9, $0x1  }
0x8: {  	p0 =	sne.s32 s11, $0x1F;
	s11 =	simm.s32 $0x0;
	s30 =	ssub.s32 s9, s10  }
0x9: {  	s31 =	sadd.s32 s5, s8;
	s10 =	simm.s32 $0x6;
	s6 =	sadd.s32 s7, s6  }
0xa: {  	s8 =	sshrl.u32 s31, $0x3;
	s7 =	smax.u32 s30, $0x1;
	s9 =	sadd.s32 $0xFFFF8000, s31  }
0xb: {  	s5 =	sadd.s32 $0x400, s6;
	s6 =	sadd.s32 $0xA00000, s3;
	s8 =	sadd.s32 s8, s3  }
.LBB2_1:
0xc: {  	[tilespmem:s4], [sflag:$0x6] =	stream.linear.gather [hbm4b:s5+s4], $0x508, $0x38;
	[tilespmem:$0x10580] =	vst v63  }
0xd: {  	p1 =	por $0x1, $0x1;
	_ =	swait.ge [sflag:s10], $0x508  }
0xe: {  	s13 =	simm.s32 $0x10;
	p2 =	por $0x1, $0x1;
	[sflag:s10] =	ssyncset.done $0x0  }
0xf: {  	s12 =	simm.s32 @!p1 $0x3;
	p3 =	por p1, p1;
	[sflag:s10] =	ssyncadd.s32 $0xFFFFFAF8  }
0x10: {  	s17 =	simm.s32 $0x0;
	p1 =	por $0x0, $0x0;
	_ =	swait.ge @!p3 [sflag:s12], $0x8000  }
0x11: {  	s14 =	simm.s32 @!p2 $0x2;
	s18 =	simm.s32 @!p1 $0x10;
	[sflag:s12] =	ssyncset.done @!p3 $0x0  }
0x12: {  	s15 =	simm.s32 @!p1 $0x580;
	[sflag:s12] =	ssyncadd.s32 @!p3 $0xFFFF8000;
	s12 =	simm.s32 @!p1 $0x0  }
0x13: {  	[tilespmem:s15], [sflag:$0x1] =	stream.indirect.gather @!p1 [hbm4b:s1+s18], $0x800, s12, s18, $0xb8;
	[tilespmem:$0x10580] =	vst v63  }
0x14: {  	s16 =	simm.s32 @!p2 $0x8580;
	s19 =	simm.s32 @!p2 $0x0;
	_ =	swait.ge @!p2 [sflag:s14], $0x8000  }
0x15: {  	s20 =	simm.s32 @!p3 $0x4;
	s12 =	sshrl.u32 @!p2 s9, $0x3;
	[sflag:s14] =	ssyncset.done @!p2 $0x0  }
0x16: {  	s21 =	simm.s32 @!p1 $0x1;
	s12 =	sadd.s32 @!p2 s3, s12;
	[sflag:s14] =	ssyncadd.s32 @!p2 $0xFFFF8000  }
0x17: {  	[hbm4b:s12+s19] =	stream.linear.scatter @!p2 [tilespmem:s16], [sflag:$0x4], $0x8000, $0x38;
	[tilespmem:$0x10580] =	vst v63  }
0x18: {  	s22 =	simm.s32 @!p1 $0x0;
	s14 =	sadd.s32 $0x10000, s9;
	_ =	swait.ge @!p3 [sflag:s20], $0x8000  }
0x19: {  	p2 =	por $0x0, $0x0;
	s16 =	simm.s32 $0x2;
	[sflag:s20] =	ssyncset.done @!p3 $0x0  }
0x1a: {  	s19 =	simm.s32 @!p1 $0x8580;
	s12 =	sadd.s32 $0x2000, s8;
	[sflag:s20] =	ssyncadd.s32 @!p3 $0xFFFF8000  }
0x1b: {  	[tilespmem:s19], [sflag:$0x2] =	stream.indirect.gather @!p1 [hbm4b:s1+s18], $0x800, s13, s18, $0xb8;
	[tilespmem:$0x10580] =	vst v63  }
0x1c: {  	s20 =	simm.s32 @!p2 $0x3;
	s18 =	simm.s32 $0x1;
	_ =	swait.ge @!p1 [sflag:s21], $0x8000  }
0x1d: {  	s13 =	simm.s32 $0x30;
	s19 =	smov.u32 s8;
	[sflag:s21] =	ssyncset.done @!p1 $0x0  }
.LBB2_2:
0x1e: {  	[sflag:s21] =	ssyncadd.s32 @!p1 $0xFFFF8000;
	s21 =	smov.u32 s16  }
0x1f: {  	p4 =	por p2, p2;
	p2 =	sgt.u32 s16, $0x4F;
	s16 =	sadd.s32 $0x2, s16  }
0x20: {  	[hbm4b:s19+s22] =	stream.linear.scatter @!p1 [tilespmem:s15], [sflag:$0x3], $0x8000, $0x38;
	[tilespmem:$0x10580] =	vst v63  }
0x21: {  	p3 =	sne.s32 s16, $0x52;
	s19 =	smov.u32 s12;
	_ =	swait.ge @!p4 [sflag:s20], $0x8000  }
0x22: {  	p1 =	sgt.u32 s18, $0x27;
	s15 =	sadd.s32 $0x1, s17;
	[sflag:s20] =	ssyncset.done @!p4 $0x0  }
0x23: {  	p5 =	sgt.u32 s15, $0x4F;
	[sflag:s20] =	ssyncadd.s32 @!p4 $0xFFFF8000;
	s20 =	simm.s32 @!p1 $0x10  }
0x24: {  	s17 =	sadd.s32 @!p1 $0xFFFFFFF0, s13;
	s15 =	simm.s32 @!p1 $0x580;
	s22 =	simm.s32 @!p5 $0x2  }
0x25: {  	[tilespmem:s15], [sflag:$0x1] =	stream.indirect.gather @!p1 [hbm4b:s1+s20], $0x800, s17, s20, $0xb8;
	[tilespmem:$0x10580] =	vst v63  }
0x26: {  	s23 =	simm.s32 @!p5 $0x8580;
	s17 =	sshrl.u32 @!p5 s14, $0x3;
	_ =	swait.ge @!p5 [sflag:s22], $0x8000  }
0x27: {  	s25 =	simm.s32 @!p5 $0x0;
	s24 =	sadd.s32 @!p5 s3, s17;
	[sflag:s22] =	ssyncset.done @!p5 $0x0  }
0x28: {  	s17 =	smov.u32 s21;
	[sflag:s22] =	ssyncadd.s32 @!p5 $0xFFFF8000;
	s22 =	simm.s32 @!p4 $0x4  }
0x29: {  	[hbm4b:s24+s25] =	stream.linear.scatter @!p5 [tilespmem:s23], [sflag:$0x4], $0x8000, $0x38;
	[tilespmem:$0x10580] =	vst v63  }
0x2a: {  	s14 =	sadd.s32 $0x10000, s14;
	_ =	swait.ge @!p4 [sflag:s22], $0x8000  }
.Ltmp0:
0x2b: {  	s23 =	simm.s32 @!p1 $0x8580;
	[sflag:s22] =	ssyncset.done @!p4 $0x0;
	(pc) =	sbr.rel @p3 .LBB2_2-.Ltmp0, $4  }
0x2c: {  	s12 =	sadd.s32 $0x2000, s12;
	s21 =	simm.s32 @!p1 $0x1;
	[sflag:s22] =	ssyncadd.s32 @!p4 $0xFFFF8000  }
0x2d: {  	[tilespmem:s23], [sflag:$0x2] =	stream.indirect.gather @!p1 [hbm4b:s1+s20], $0x800, s13, s20, $0xb8;
	[tilespmem:$0x10580] =	vst v63  }
0x2e: {  	s18 =	sadd.s32 $0x1, s18;
	s13 =	sadd.s32 $0x20, s13;
	_ =	swait.ge @!p1 [sflag:s21], $0x8000  }
0x2f: {  	s22 =	simm.s32 @!p1 $0x0;
	s20 =	simm.s32 @!p2 $0x3;
	[sflag:s21] =	ssyncset.done @!p1 $0x0  }
0x30: {  	[sflag:s21] =	ssyncadd.s32 @!p1 $0xFFFF8000;
	p2 =	por p2, p2;
	s31 =	sadd.s32 $0x1, s17  }
0x31: {  	[hbm4b:s19+s22] =	stream.linear.scatter @!p1 [tilespmem:s15], [sflag:$0x3], $0x8000, $0x38;
	[tilespmem:$0x10580] =	vst v63  }
0x32: {  	p1 =	sgt.u32 s18, $0x27;
	p3 =	sgt.u32 s31, $0x4F;
	_ =	swait.ge @!p2 [sflag:s20], $0x8000  }
0x33: {  	s16 =	simm.s32 @!p1 $0x10;
	s15 =	sadd.s32 @!p1 $0xFFFFFFF0, s13;
	[sflag:s20] =	ssyncset.done @!p2 $0x0  }
0x34: {  	s17 =	simm.s32 @!p1 $0x580;
	s18 =	simm.s32 @!p3 $0x2;
	[sflag:s20] =	ssyncadd.s32 @!p2 $0xFFFF8000  }
0x35: {  	[tilespmem:s17], [sflag:$0x1] =	stream.indirect.gather @!p1 [hbm4b:s1+s16], $0x800, s15, s16, $0xb8;
	[tilespmem:$0x10580] =	vst v63  }
0x36: {  	s14 =	sshrl.u32 @!p3 s14, $0x3;
	_ =	swait.ge @!p3 [sflag:s18], $0x8000  }
0x37: {  	s19 =	simm.s32 @!p3 $0x0;
	s14 =	sadd.s32 @!p3 s3, s14;
	[sflag:s18] =	ssyncset.done @!p3 $0x0  }
0x38: {  	s15 =	simm.s32 @!p3 $0x8580;
	[sflag:s18] =	ssyncadd.s32 @!p3 $0xFFFF8000;
	s18 =	simm.s32 @!p2 $0x4  }
0x39: {  	[hbm4b:s14+s19] =	stream.linear.scatter @!p3 [tilespmem:s15], [sflag:$0x4], $0x8000, $0x38;
	[tilespmem:$0x10580] =	vst v63  }
0x3a: {  	_ =	swait.ge @!p2 [sflag:s18], $0x8000  }
0x3b: {  	[sflag:s18] =	ssyncset.done @!p2 $0x0  }
0x3c: {  	s14 =	simm.s32 @!p1 $0x8580;
	s15 =	simm.s32 @!p1 $0x1;
	[sflag:s18] =	ssyncadd.s32 @!p2 $0xFFFF8000  }
0x3d: {  	[tilespmem:s14], [sflag:$0x2] =	stream.indirect.gather @!p1 [hbm4b:s1+s16], $0x800, s13, s16, $0xb8;
	[tilespmem:$0x10580] =	vst v63  }
0x3e: {  	_ =	swait.ge @!p1 [sflag:s15], $0x8000  }
0x3f: {  	[sflag:s15] =	ssyncset.done @!p1 $0x0  }
0x40: {  	s13 =	simm.s32 @!p1 $0x0;
	[sflag:s15] =	ssyncadd.s32 @!p1 $0xFFFF8000  }
0x41: {  	[hbm4b:s12+s13] =	stream.linear.scatter @!p1 [tilespmem:s17], [sflag:$0x3], $0x8000, $0x38;
	[tilespmem:$0x10580] =	vst v63  }
0x42: {  	s14 =	simm.s32 @!p0 $0x580;
	s12 =	simm.s32 @!p0 $0x2;
	s13 =	simm.s32 @!p0 $0x500  }
0x43: {  	[tilespmem:s14], [sflag:$0x5] =	stream.indirect.gather @!p0 [hbm4b:s1+s12], $0x800, s13, s12, $0xb8;
	[tilespmem:$0x10580] =	vst v63  }
0x44: {  	s12 =	simm.s32 @!p0 $0x5  }
0x45: {  	s11 =	sadd.s32 $0x1, s11;
	_ =	swait.ge @!p0 [sflag:s12], $0x1000  }
0x46: {  	p1 =	sne.s32 s11, s7;
	[sflag:s12] =	ssyncset.done @!p0 $0x0  }
.Ltmp1:
0x47: {  	s13 =	simm.s32 @!p0 $0x0;
	[sflag:s12] =	ssyncadd.s32 @!p0 $0xFFFFF000;
	(pc) =	sbr.rel @p1 .LBB2_1-.Ltmp1, $4  }
0x48: {  	[hbm4b:s6+s13] =	stream.linear.scatter @!p0 [tilespmem:s14], [sflag:$0x5], $0x1000, $0x38;
	[tilespmem:$0x10580] =	vst v63  }
0x49: {  	_ =	swait.ge @!p0 [sflag:s12], $0x1000  }
0x4a: {  	[sflag:s12] =	ssyncset.done @!p0 $0x0  }
0x4b: {  	[sflag:s12] =	ssyncadd.s32 @!p0 $0xFFFFF000  }
0x4c: {  	_ =	sfence.sel $0x180000  }
0x4d: {  	[bflag:$0x0] =	sbarrier.arrive $0xFFFF  }
0x4e: {  	p0 =	sne.s32 s0, $0x0;
	_ =	strace $0x90000047  }
0x4f: {  	s0 =	sadd.s32 @!p0 $0x100000, s2;
	[bflag:$0x2] =	sbarrier.arrive $0xFFFF  }
0x50: {  	[sflag:s0] =	ssyncadd.tile.s32 @!p0 $0x1;
	_ =	shalt  }
.Lfunc_end2:
_tile_overlayer_lowered:
.L_overlay_start_2:
0x51: {  	(tag) =	ssettag $0x2  }
0x52: {  	s0 =	rddreg [dreg:$0x0];
	s2 =	stileid.u32  }
0x53: {  	s1 =	rddreg [dreg:$0x1];
	p0 =	sne.s32 s2, $0x0  }
0x54: {  	s3 =	rddreg [dreg:$0x2];
	[bflag:$0x3] =	sbarrier.arrive $0xFFFF;
	s2 =	simm.s32 @!p0 $0x1C06  }
0x55: {  	[timem:s3], [sflag:s2] =	dma.local @!p0 [hbm:s0], s1  }
0x56: {  	s0 =	simm.s32 @!p0 $0x6  }
0x57: {  	_ =	swait.ge @!p0 [sflag:s0], s1  }
0x58: {  	s1 =	ssub.s32 @!p0 $0x0, s1;
	[sflag:s0] =	ssyncset.done @!p0 $0x0  }
0x59: {  	[sflag:s0] =	ssyncadd.s32 @!p0 s1  }
0x5a: {  	[bflag:$0x3] =	sbarrier.arrive $0xFFFF  }
0x5b: {  	_ =	shalt  }

</sc_bundles>
